<compile_context>
chip_gen: v7x
topology: tpu7x:2x2x1
jax: 0.10.2.dev20260603
libtpu: 0.0.44.dev20260713+nightly
codegen_flags: <defaults>
</compile_context>

<pallas_src>
import functools

import jax
import jax.numpy as jnp
from jax import lax
from jax.experimental import pallas as pl
from jax.experimental.pallas import tpu as pltpu
from jax.experimental.pallas import tpu_sc as plsc

_L = 16


def _make_scatter_kernel(n_rows: int, n_idx: int):
    info = plsc.get_sparse_core_info()
    nc, ns = info.num_cores, info.num_subcores
    nw = nc * ns
    chunk = ((n_rows + nw - 1) // nw + _L - 1) // _L * _L
    last = n_rows - chunk * (nw - 1)
    assert 0 < last <= chunk and last % 8 == 0 and chunk % 8 == 0
    n_vecs = n_idx // _L
    assert n_idx % _L == 0

    mesh = plsc.VectorSubcoreMesh(core_axis_name="c", subcore_axis_name="s")

    @functools.partial(
        pl.kernel,
        mesh=mesh,
        out_type=jax.ShapeDtypeStruct((n_rows,), jnp.int32),
        scratch_types=[
            pltpu.VMEM((n_idx,), jnp.int32),
            pltpu.VMEM((chunk,), jnp.int32),
            pltpu.SemaphoreType.DMA,
        ],
        compiler_params=pltpu.CompilerParams(needs_layout_passes=False),
    )
    def scatter_kernel(idx_hbm, out_hbm, idx_v, block_v, sem):
        wid = lax.axis_index("s") * nc + lax.axis_index("c")
        lo = wid * chunk
        iota = lax.iota(jnp.int32, _L)
        zeros = jnp.zeros((_L,), jnp.int32)

        in_dma = pltpu.async_copy(idx_hbm, idx_v, sem)

        def zero_body(i, _):
            block_v[pl.ds(i * _L, _L)] = zeros
            return 0

        lax.fori_loop(0, chunk // _L, zero_body, 0, unroll=8)

        in_dma.wait()

        def scan_body(j, vals):
            v = idx_v[pl.ds(j * _L, _L)]
            rel = v - lo
            mask = (rel >= 0) & (rel < chunk)
            loc = jnp.where(mask, rel, 0)
            plsc.store_scatter(block_v, [loc], vals, mask=mask)
            return vals + _L

        lax.fori_loop(0, n_vecs, scan_body, iota, unroll=4)

        def verify_pass(_):
            def body(j, carry):
                flag, vals = carry
                v = idx_v[pl.ds(j * _L, _L)]
                rel = v - lo
                mask = (rel >= 0) & (rel < chunk)
                loc = jnp.where(mask, rel, 0)
                g = plsc.load_gather(block_v, [loc], mask=mask)
                bad = mask & (g < vals)
                plsc.store_scatter(block_v, [loc], vals, mask=bad)
                return flag | bad, vals + _L

            flag, _ = lax.fori_loop(
                0, n_vecs, body, (jnp.zeros((_L,), jnp.bool_), iota), unroll=4
            )
            return jnp.any(flag)

        lax.while_loop(lambda b: b, verify_pass, verify_pass(0))

        @pl.when(wid < nw - 1)
        def _():
            pltpu.sync_copy(block_v, out_hbm.at[pl.ds(lo, chunk)])

        @pl.when(wid == nw - 1)
        def _():
            pltpu.sync_copy(
                block_v.at[pl.ds(0, last)], out_hbm.at[pl.ds(lo, last)]
            )

    return scatter_kernel


def kernel(X, row_missing_idx):
    n_rows = X.shape[0]
    n_idx = row_missing_idx.shape[0]
    sk = _make_scatter_kernel(n_rows, n_idx)
    return sk(row_missing_idx.astype(jnp.int32))

# --- scband reference (transcript-rebuilt; emitter-appended) ---
"""Pipeline reference for scband-make-dict-idx-map-11879879543660 (READ-ONLY COPY).

The authoritative reference and input builder live on the scoring server;
editing this copy changes nothing except your own understanding.
"""

import jax, jax.numpy as jnp
import numpy as np


def setup_inputs(seed: int = 0) -> dict:
    key = jax.random.key(seed)
    kx, ki = jax.random.split(key)
    X = jax.random.normal(kx, (1000000, 64), dtype=jnp.float32)
    row_missing_idx = jax.random.randint(ki, (16384,), 0, 1000000, dtype=jnp.int64 if jax.config.read('jax_enable_x64') else jnp.int32)
    return {"X": X, "row_missing_idx": row_missing_idx}


def reference(X, row_missing_idx):
    # dist_idx_map = zeros(N, int); dist_idx_map[row_missing_idx] = arange(B)
    dist_idx_map = jnp.zeros((X.shape[0],), dtype=jnp.int32)
    dist_idx_map = dist_idx_map.at[row_missing_idx].set(
        jnp.arange(row_missing_idx.shape[0], dtype=jnp.int32)
    )
    return dist_idx_map

if __name__ == "__main__":
    import jax
    _d = setup_inputs()
    print(jax.jit(kernel)(*tuple(_d.values())))

</pallas_src>

<mosaic_0001>
#map = affine_map<(d0, d1) -> (0)>
module attributes {stable_mosaic.version = 14 : i64} {
  func.func @scatter_kernel(%arg0: i32, %arg1: i32, %arg2: memref<16384xi32, #tpu.memory_space<hbm>>, %arg3: memref<1000000xi32, #tpu.memory_space<hbm>>, %arg4: memref<16384xi32, #tpu.memory_space<vmem>>, %arg5: memref<31264xi32, #tpu.memory_space<vmem>>, %arg6: memref<!tpu.dma_semaphore, #tpu.memory_space<semaphore_mem>>) attributes {dimension_semantics = [#tpu.dimension_semantics<core_parallel>, #tpu.dimension_semantics<subcore_parallel>], iteration_bounds = array<i64: 2, 16>, scalar_prefetch = 0 : i64, scratch_operands = 3 : i64, tpu.core_type = #tpu.core_type<sc_vector_subcore>, window_params = [{transform_indices = #map}, {transform_indices = #map}]} {
    %mul3A = arith.constant 2 : i32
    %mul3A_0 = arith.muli %arg1, %mul3A : i32
    %add3A = arith.addi %mul3A_0, %arg0 : i32
    %mul3A_1 = arith.constant 31264 : i32
    %mul3A_2 = arith.muli %add3A, %mul3A_1 : i32
    %iota3A = tpu.iota {dimensions = array<i32: 0>} : vector<16xi32>
    %broadcast_in_dim3A = arith.constant 0 : i32
    %broadcast_in_dim3A_3 = vector.broadcast %broadcast_in_dim3A : i32 to vector<16xi32>
    tpu.enqueue_dma source(%arg2 : memref<16384xi32, #tpu.memory_space<hbm>>) target(%arg4 : memref<16384xi32, #tpu.memory_space<vmem>>) target_semaphore(%arg6 : memref<!tpu.dma_semaphore, #tpu.memory_space<semaphore_mem>>)
    %scan3A = arith.constant 0 : i32
    %scan3A_4 = arith.constant 0 : i32
    %scan3A_5 = arith.constant 1952 : i32
    %scan3A_6 = arith.addi %scan3A_4, %scan3A_5 : i32
    %scan3A_7 = arith.constant 8 : i32
    %scan3A_8 = scf.for %scan3A_53 = %scan3A_4 to %scan3A_6 step %scan3A_7 iter_args(%scan3A_54 = %scan3A) -> (i32)  : i32 {
      %mul3A_55 = arith.constant 16 : i32
      %mul3A_56 = arith.muli %scan3A_53, %mul3A_55 : i32
      %swap3A_57 = arith.index_cast %mul3A_56 : i32 to index
      %swap3A_58 = tpu.vector_load %arg5[%swap3A_57] {strides = array<i32>} : memref<31264xi32, #tpu.memory_space<vmem>>, vector<16xi32>,
      tpu.vector_store %arg5[%swap3A_57], %broadcast_in_dim3A_3 {strides = array<i32>} : memref<31264xi32, #tpu.memory_space<vmem>>, vector<16xi32>,
      %scan3A_59 = arith.constant 0 : i32
      %scan3A_60 = arith.constant 1 : i32
      %scan3A_61 = arith.addi %scan3A_53, %scan3A_60 : i32
      %mul3A_62 = arith.constant 16 : i32
      %mul3A_63 = arith.muli %scan3A_61, %mul3A_62 : i32
      %swap3A_64 = arith.index_cast %mul3A_63 : i32 to index
      %swap3A_65 = tpu.vector_load %arg5[%swap3A_64] {strides = array<i32>} : memref<31264xi32, #tpu.memory_space<vmem>>, vector<16xi32>,
      tpu.vector_store %arg5[%swap3A_64], %broadcast_in_dim3A_3 {strides = array<i32>} : memref<31264xi32, #tpu.memory_space<vmem>>, vector<16xi32>,
      %scan3A_66 = arith.constant 0 : i32
      %scan3A_67 = arith.constant 2 : i32
      %scan3A_68 = arith.addi %scan3A_53, %scan3A_67 : i32
      %mul3A_69 = arith.constant 16 : i32
      %mul3A_70 = arith.muli %scan3A_68, %mul3A_69 : i32
      %swap3A_71 = arith.index_cast %mul3A_70 : i32 to index
      %swap3A_72 = tpu.vector_load %arg5[%swap3A_71] {strides = array<i32>} : memref<31264xi32, #tpu.memory_space<vmem>>, vector<16xi32>,
      tpu.vector_store %arg5[%swap3A_71], %broadcast_in_dim3A_3 {strides = array<i32>} : memref<31264xi32, #tpu.memory_space<vmem>>, vector<16xi32>,
      %scan3A_73 = arith.constant 0 : i32
      %scan3A_74 = arith.constant 3 : i32
      %scan3A_75 = arith.addi %scan3A_53, %scan3A_74 : i32
      %mul3A_76 = arith.constant 16 : i32
      %mul3A_77 = arith.muli %scan3A_75, %mul3A_76 : i32
      %swap3A_78 = arith.index_cast %mul3A_77 : i32 to index
      %swap3A_79 = tpu.vector_load %arg5[%swap3A_78] {strides = array<i32>} : memref<31264xi32, #tpu.memory_space<vmem>>, vector<16xi32>,
      tpu.vector_store %arg5[%swap3A_78], %broadcast_in_dim3A_3 {strides = array<i32>} : memref<31264xi32, #tpu.memory_space<vmem>>, vector<16xi32>,
      %scan3A_80 = arith.constant 0 : i32
      %scan3A_81 = arith.constant 4 : i32
      %scan3A_82 = arith.addi %scan3A_53, %scan3A_81 : i32
      %mul3A_83 = arith.constant 16 : i32
      %mul3A_84 = arith.muli %scan3A_82, %mul3A_83 : i32
      %swap3A_85 = arith.index_cast %mul3A_84 : i32 to index
      %swap3A_86 = tpu.vector_load %arg5[%swap3A_85] {strides = array<i32>} : memref<31264xi32, #tpu.memory_space<vmem>>, vector<16xi32>,
      tpu.vector_store %arg5[%swap3A_85], %broadcast_in_dim3A_3 {strides = array<i32>} : memref<31264xi32, #tpu.memory_space<vmem>>, vector<16xi32>,
      %scan3A_87 = arith.constant 0 : i32
      %scan3A_88 = arith.constant 5 : i32
      %scan3A_89 = arith.addi %scan3A_53, %scan3A_88 : i32
      %mul3A_90 = arith.constant 16 : i32
      %mul3A_91 = arith.muli %scan3A_89, %mul3A_90 : i32
      %swap3A_92 = arith.index_cast %mul3A_91 : i32 to index
      %swap3A_93 = tpu.vector_load %arg5[%swap3A_92] {strides = array<i32>} : memref<31264xi32, #tpu.memory_space<vmem>>, vector<16xi32>,
      tpu.vector_store %arg5[%swap3A_92], %broadcast_in_dim3A_3 {strides = array<i32>} : memref<31264xi32, #tpu.memory_space<vmem>>, vector<16xi32>,
      %scan3A_94 = arith.constant 0 : i32
      %scan3A_95 = arith.constant 6 : i32
      %scan3A_96 = arith.addi %scan3A_53, %scan3A_95 : i32
      %mul3A_97 = arith.constant 16 : i32
      %mul3A_98 = arith.muli %scan3A_96, %mul3A_97 : i32
      %swap3A_99 = arith.index_cast %mul3A_98 : i32 to index
      %swap3A_100 = tpu.vector_load %arg5[%swap3A_99] {strides = array<i32>} : memref<31264xi32, #tpu.memory_space<vmem>>, vector<16xi32>,
      tpu.vector_store %arg5[%swap3A_99], %broadcast_in_dim3A_3 {strides = array<i32>} : memref<31264xi32, #tpu.memory_space<vmem>>, vector<16xi32>,
      %scan3A_101 = arith.constant 0 : i32
      %scan3A_102 = arith.constant 7 : i32
      %scan3A_103 = arith.addi %scan3A_53, %scan3A_102 : i32
      %mul3A_104 = arith.constant 16 : i32
      %mul3A_105 = arith.muli %scan3A_103, %mul3A_104 : i32
      %swap3A_106 = arith.index_cast %mul3A_105 : i32 to index
      %swap3A_107 = tpu.vector_load %arg5[%swap3A_106] {strides = array<i32>} : memref<31264xi32, #tpu.memory_space<vmem>>, vector<16xi32>,
      tpu.vector_store %arg5[%swap3A_106], %broadcast_in_dim3A_3 {strides = array<i32>} : memref<31264xi32, #tpu.memory_space<vmem>>, vector<16xi32>,
      %scan3A_108 = arith.constant 0 : i32
      scf.yield %scan3A_108 : i32
    }
    %scan3A_9 = arith.constant 1952 : i32
    %scan3A_10 = arith.addi %scan3A_4, %scan3A_9 : i32
    %mul3A_11 = arith.constant 16 : i32
    %mul3A_12 = arith.muli %scan3A_10, %mul3A_11 : i32
    %swap3A = arith.index_cast %mul3A_12 : i32 to index
    %swap3A_13 = tpu.vector_load %arg5[%swap3A] {strides = array<i32>} : memref<31264xi32, #tpu.memory_space<vmem>>, vector<16xi32>,
    tpu.vector_store %arg5[%swap3A], %broadcast_in_dim3A_3 {strides = array<i32>} : memref<31264xi32, #tpu.memory_space<vmem>>, vector<16xi32>,
    %scan3A_14 = arith.constant 0 : i32
    %scan3A_15 = arith.constant 1953 : i32
    %scan3A_16 = arith.addi %scan3A_4, %scan3A_15 : i32
    %mul3A_17 = arith.constant 16 : i32
    %mul3A_18 = arith.muli %scan3A_16, %mul3A_17 : i32
    %swap3A_19 = arith.index_cast %mul3A_18 : i32 to index
    %swap3A_20 = tpu.vector_load %arg5[%swap3A_19] {strides = array<i32>} : memref<31264xi32, #tpu.memory_space<vmem>>, vector<16xi32>,
    tpu.vector_store %arg5[%swap3A_19], %broadcast_in_dim3A_3 {strides = array<i32>} : memref<31264xi32, #tpu.memory_space<vmem>>, vector<16xi32>,
    %scan3A_21 = arith.constant 0 : i32
    %scan3A_22 = arith.constant 1954 : i32
    tpu.wait_dma2 semaphore(%arg6 : memref<!tpu.dma_semaphore, #tpu.memory_space<semaphore_mem>>) src(%arg2 : memref<16384xi32, #tpu.memory_space<hbm>>) dst(%arg4 : memref<16384xi32, #tpu.memory_space<vmem>>)
    %scan3A_23 = arith.constant 0 : i32
    %scan3A_24 = arith.constant 1024 : i32
    %scan3A_25 = arith.addi %scan3A_23, %scan3A_24 : i32
    %scan3A_26 = arith.constant 4 : i32
    %scan3A_27 = scf.for %scan3A_53 = %scan3A_23 to %scan3A_25 step %scan3A_26 iter_args(%scan3A_54 = %iota3A) -> (vector<16xi32>)  : i32 {
      %mul3A_55 = arith.constant 16 : i32
      %mul3A_56 = arith.muli %scan3A_53, %mul3A_55 : i32
      %get3A = arith.index_cast %mul3A_56 : i32 to index
      %get3A_57 = tpu.vector_load %arg4[%get3A] {strides = array<i32>} : memref<16384xi32, #tpu.memory_space<vmem>>, vector<16xi32>,
      %sub3A = vector.broadcast %mul3A_2 : i32 to vector<16xi32>
      %sub3A_58 = arith.subi %get3A_57, %sub3A : vector<16xi32>
      %ge3A = arith.constant 0 : i32
      %ge3A_59 = vector.broadcast %ge3A : i32 to vector<16xi32>
      %ge3A_60 = arith.cmpi sge, %sub3A_58, %ge3A_59 : vector<16xi32>
      %lt3A_61 = arith.constant 31264 : i32
      %lt3A_62 = vector.broadcast %lt3A_61 : i32 to vector<16xi32>
      %lt3A_63 = arith.cmpi slt, %sub3A_58, %lt3A_62 : vector<16xi32>
      %and3A = arith.andi %ge3A_60, %lt3A_63 : vector<16xi1>
      %jit3A = arith.constant 0 : i32
      %broadcast_in_dim3A_64 = vector.broadcast %jit3A : i32 to vector<16xi32>
      %select_n3A = arith.select %and3A, %sub3A_58, %broadcast_in_dim3A_64 : vector<16xi1>, vector<16xi32>
      tpu.vector_store_idx %arg5[%select_n3A], %scan3A_54 masked %and3A : memref<31264xi32, #tpu.memory_space<vmem>>[vector<16xi32>], vector<16xi32>, vector<16xi1>
      %add3A_65 = arith.constant 16 : i32
      %add3A_66 = vector.broadcast %add3A_65 : i32 to vector<16xi32>
      %add3A_67 = arith.addi %scan3A_54, %add3A_66 : vector<16xi32>
      %scan3A_68 = arith.constant 1 : i32
      %scan3A_69 = arith.addi %scan3A_53, %scan3A_68 : i32
      %mul3A_70 = arith.constant 16 : i32
      %mul3A_71 = arith.muli %scan3A_69, %mul3A_70 : i32
      %get3A_72 = arith.index_cast %mul3A_71 : i32 to index
      %get3A_73 = tpu.vector_load %arg4[%get3A_72] {strides = array<i32>} : memref<16384xi32, #tpu.memory_space<vmem>>, vector<16xi32>,
      %sub3A_74 = vector.broadcast %mul3A_2 : i32 to vector<16xi32>
      %sub3A_75 = arith.subi %get3A_73, %sub3A_74 : vector<16xi32>
      %ge3A_76 = arith.constant 0 : i32
      %ge3A_77 = vector.broadcast %ge3A_76 : i32 to vector<16xi32>
      %ge3A_78 = arith.cmpi sge, %sub3A_75, %ge3A_77 : vector<16xi32>
      %lt3A_79 = arith.constant 31264 : i32
      %lt3A_80 = vector.broadcast %lt3A_79 : i32 to vector<16xi32>
      %lt3A_81 = arith.cmpi slt, %sub3A_75, %lt3A_80 : vector<16xi32>
      %and3A_82 = arith.andi %ge3A_78, %lt3A_81 : vector<16xi1>
      %jit3A_83 = arith.constant 0 : i32
      %broadcast_in_dim3A_84 = vector.broadcast %jit3A_83 : i32 to vector<16xi32>
      %select_n3A_85 = arith.select %and3A_82, %sub3A_75, %broadcast_in_dim3A_84 : vector<16xi1>, vector<16xi32>
      tpu.vector_store_idx %arg5[%select_n3A_85], %add3A_67 masked %and3A_82 : memref<31264xi32, #tpu.memory_space<vmem>>[vector<16xi32>], vector<16xi32>, vector<16xi1>
      %add3A_86 = arith.constant 16 : i32
      %add3A_87 = vector.broadcast %add3A_86 : i32 to vector<16xi32>
      %add3A_88 = arith.addi %add3A_67, %add3A_87 : vector<16xi32>
      %scan3A_89 = arith.constant 2 : i32
      %scan3A_90 = arith.addi %scan3A_53, %scan3A_89 : i32
      %mul3A_91 = arith.constant 16 : i32
      %mul3A_92 = arith.muli %scan3A_90, %mul3A_91 : i32
      %get3A_93 = arith.index_cast %mul3A_92 : i32 to index
      %get3A_94 = tpu.vector_load %arg4[%get3A_93] {strides = array<i32>} : memref<16384xi32, #tpu.memory_space<vmem>>, vector<16xi32>,
      %sub3A_95 = vector.broadcast %mul3A_2 : i32 to vector<16xi32>
      %sub3A_96 = arith.subi %get3A_94, %sub3A_95 : vector<16xi32>
      %ge3A_97 = arith.constant 0 : i32
      %ge3A_98 = vector.broadcast %ge3A_97 : i32 to vector<16xi32>
      %ge3A_99 = arith.cmpi sge, %sub3A_96, %ge3A_98 : vector<16xi32>
      %lt3A_100 = arith.constant 31264 : i32
      %lt3A_101 = vector.broadcast %lt3A_100 : i32 to vector<16xi32>
      %lt3A_102 = arith.cmpi slt, %sub3A_96, %lt3A_101 : vector<16xi32>
      %and3A_103 = arith.andi %ge3A_99, %lt3A_102 : vector<16xi1>
      %jit3A_104 = arith.constant 0 : i32
      %broadcast_in_dim3A_105 = vector.broadcast %jit3A_104 : i32 to vector<16xi32>
      %select_n3A_106 = arith.select %and3A_103, %sub3A_96, %broadcast_in_dim3A_105 : vector<16xi1>, vector<16xi32>
      tpu.vector_store_idx %arg5[%select_n3A_106], %add3A_88 masked %and3A_103 : memref<31264xi32, #tpu.memory_space<vmem>>[vector<16xi32>], vector<16xi32>, vector<16xi1>
      %add3A_107 = arith.constant 16 : i32
      %add3A_108 = vector.broadcast %add3A_107 : i32 to vector<16xi32>
      %add3A_109 = arith.addi %add3A_88, %add3A_108 : vector<16xi32>
      %scan3A_110 = arith.constant 3 : i32
      %scan3A_111 = arith.addi %scan3A_53, %scan3A_110 : i32
      %mul3A_112 = arith.constant 16 : i32
      %mul3A_113 = arith.muli %scan3A_111, %mul3A_112 : i32
      %get3A_114 = arith.index_cast %mul3A_113 : i32 to index
      %get3A_115 = tpu.vector_load %arg4[%get3A_114] {strides = array<i32>} : memref<16384xi32, #tpu.memory_space<vmem>>, vector<16xi32>,
      %sub3A_116 = vector.broadcast %mul3A_2 : i32 to vector<16xi32>
      %sub3A_117 = arith.subi %get3A_115, %sub3A_116 : vector<16xi32>
      %ge3A_118 = arith.constant 0 : i32
      %ge3A_119 = vector.broadcast %ge3A_118 : i32 to vector<16xi32>
      %ge3A_120 = arith.cmpi sge, %sub3A_117, %ge3A_119 : vector<16xi32>
      %lt3A_121 = arith.constant 31264 : i32
      %lt3A_122 = vector.broadcast %lt3A_121 : i32 to vector<16xi32>
      %lt3A_123 = arith.cmpi slt, %sub3A_117, %lt3A_122 : vector<16xi32>
      %and3A_124 = arith.andi %ge3A_120, %lt3A_123 : vector<16xi1>
      %jit3A_125 = arith.constant 0 : i32
      %broadcast_in_dim3A_126 = vector.broadcast %jit3A_125 : i32 to vector<16xi32>
      %select_n3A_127 = arith.select %and3A_124, %sub3A_117, %broadcast_in_dim3A_126 : vector<16xi1>, vector<16xi32>
      tpu.vector_store_idx %arg5[%select_n3A_127], %add3A_109 masked %and3A_124 : memref<31264xi32, #tpu.memory_space<vmem>>[vector<16xi32>], vector<16xi32>, vector<16xi1>
      %add3A_128 = arith.constant 16 : i32
      %add3A_129 = vector.broadcast %add3A_128 : i32 to vector<16xi32>
      %add3A_130 = arith.addi %add3A_109, %add3A_129 : vector<16xi32>
      scf.yield %add3A_130 : vector<16xi32>
    }
    %scan3A_28 = arith.constant 1024 : i32
    %broadcast_in_dim3A_29 = arith.constant false
    %broadcast_in_dim3A_30 = vector.broadcast %broadcast_in_dim3A_29 : i1 to vector<16xi1>
    %scan3A_31 = arith.constant 0 : i32
    %scan3A_32 = arith.constant 1024 : i32
    %scan3A_33 = arith.addi %scan3A_31, %scan3A_32 : i32
    %scan3A_34 = arith.constant 4 : i32
    %scan3A_35:2 = scf.for %scan3A_53 = %scan3A_31 to %scan3A_33 step %scan3A_34 iter_args(%scan3A_54 = %broadcast_in_dim3A_30, %scan3A_55 = %iota3A) -> (vector<16xi1>, vector<16xi32>)  : i32 {
      %mul3A_56 = arith.constant 16 : i32
      %mul3A_57 = arith.muli %scan3A_53, %mul3A_56 : i32
      %get3A = arith.index_cast %mul3A_57 : i32 to index
      %get3A_58 = tpu.vector_load %arg4[%get3A] {strides = array<i32>} : memref<16384xi32, #tpu.memory_space<vmem>>, vector<16xi32>,
      %sub3A = vector.broadcast %mul3A_2 : i32 to vector<16xi32>
      %sub3A_59 = arith.subi %get3A_58, %sub3A : vector<16xi32>
      %ge3A = arith.constant 0 : i32
      %ge3A_60 = vector.broadcast %ge3A : i32 to vector<16xi32>
      %ge3A_61 = arith.cmpi sge, %sub3A_59, %ge3A_60 : vector<16xi32>
      %lt3A_62 = arith.constant 31264 : i32
      %lt3A_63 = vector.broadcast %lt3A_62 : i32 to vector<16xi32>
      %lt3A_64 = arith.cmpi slt, %sub3A_59, %lt3A_63 : vector<16xi32>
      %and3A = arith.andi %ge3A_61, %lt3A_64 : vector<16xi1>
      %jit3A = arith.constant 0 : i32
      %broadcast_in_dim3A_65 = vector.broadcast %jit3A : i32 to vector<16xi32>
      %select_n3A = arith.select %and3A, %sub3A_59, %broadcast_in_dim3A_65 : vector<16xi1>, vector<16xi32>
      %gather3A = tpu.vector_load_idx %arg5[%select_n3A] masked %and3A : memref<31264xi32, #tpu.memory_space<vmem>>[vector<16xi32>], vector<16xi32>, vector<16xi1>
      %lt3A_66 = arith.cmpi slt, %gather3A, %scan3A_55 : vector<16xi32>
      %and3A_67 = arith.andi %and3A, %lt3A_66 : vector<16xi1>
      tpu.vector_store_idx %arg5[%select_n3A], %scan3A_55 masked %and3A_67 : memref<31264xi32, #tpu.memory_space<vmem>>[vector<16xi32>], vector<16xi32>, vector<16xi1>
      %or3A = arith.ori %scan3A_54, %and3A_67 : vector<16xi1>
      %add3A_68 = arith.constant 16 : i32
      %add3A_69 = vector.broadcast %add3A_68 : i32 to vector<16xi32>
      %add3A_70 = arith.addi %scan3A_55, %add3A_69 : vector<16xi32>
      %scan3A_71 = arith.constant 1 : i32
      %scan3A_72 = arith.addi %scan3A_53, %scan3A_71 : i32
      %mul3A_73 = arith.constant 16 : i32
      %mul3A_74 = arith.muli %scan3A_72, %mul3A_73 : i32
      %get3A_75 = arith.index_cast %mul3A_74 : i32 to index
      %get3A_76 = tpu.vector_load %arg4[%get3A_75] {strides = array<i32>} : memref<16384xi32, #tpu.memory_space<vmem>>, vector<16xi32>,
      %sub3A_77 = vector.broadcast %mul3A_2 : i32 to vector<16xi32>
      %sub3A_78 = arith.subi %get3A_76, %sub3A_77 : vector<16xi32>
      %ge3A_79 = arith.constant 0 : i32
      %ge3A_80 = vector.broadcast %ge3A_79 : i32 to vector<16xi32>
      %ge3A_81 = arith.cmpi sge, %sub3A_78, %ge3A_80 : vector<16xi32>
      %lt3A_82 = arith.constant 31264 : i32
      %lt3A_83 = vector.broadcast %lt3A_82 : i32 to vector<16xi32>
      %lt3A_84 = arith.cmpi slt, %sub3A_78, %lt3A_83 : vector<16xi32>
      %and3A_85 = arith.andi %ge3A_81, %lt3A_84 : vector<16xi1>
      %jit3A_86 = arith.constant 0 : i32
      %broadcast_in_dim3A_87 = vector.broadcast %jit3A_86 : i32 to vector<16xi32>
      %select_n3A_88 = arith.select %and3A_85, %sub3A_78, %broadcast_in_dim3A_87 : vector<16xi1>, vector<16xi32>
      %gather3A_89 = tpu.vector_load_idx %arg5[%select_n3A_88] masked %and3A_85 : memref<31264xi32, #tpu.memory_space<vmem>>[vector<16xi32>], vector<16xi32>, vector<16xi1>
      %lt3A_90 = arith.cmpi slt, %gather3A_89, %add3A_70 : vector<16xi32>
      %and3A_91 = arith.andi %and3A_85, %lt3A_90 : vector<16xi1>
      tpu.vector_store_idx %arg5[%select_n3A_88], %add3A_70 masked %and3A_91 : memref<31264xi32, #tpu.memory_space<vmem>>[vector<16xi32>], vector<16xi32>, vector<16xi1>
      %or3A_92 = arith.ori %or3A, %and3A_91 : vector<16xi1>
      %add3A_93 = arith.constant 16 : i32
      %add3A_94 = vector.broadcast %add3A_93 : i32 to vector<16xi32>
      %add3A_95 = arith.addi %add3A_70, %add3A_94 : vector<16xi32>
      %scan3A_96 = arith.constant 2 : i32
      %scan3A_97 = arith.addi %scan3A_53, %scan3A_96 : i32
      %mul3A_98 = arith.constant 16 : i32
      %mul3A_99 = arith.muli %scan3A_97, %mul3A_98 : i32
      %get3A_100 = arith.index_cast %mul3A_99 : i32 to index
      %get3A_101 = tpu.vector_load %arg4[%get3A_100] {strides = array<i32>} : memref<16384xi32, #tpu.memory_space<vmem>>, vector<16xi32>,
      %sub3A_102 = vector.broadcast %mul3A_2 : i32 to vector<16xi32>
      %sub3A_103 = arith.subi %get3A_101, %sub3A_102 : vector<16xi32>
      %ge3A_104 = arith.constant 0 : i32
      %ge3A_105 = vector.broadcast %ge3A_104 : i32 to vector<16xi32>
      %ge3A_106 = arith.cmpi sge, %sub3A_103, %ge3A_105 : vector<16xi32>
      %lt3A_107 = arith.constant 31264 : i32
      %lt3A_108 = vector.broadcast %lt3A_107 : i32 to vector<16xi32>
      %lt3A_109 = arith.cmpi slt, %sub3A_103, %lt3A_108 : vector<16xi32>
      %and3A_110 = arith.andi %ge3A_106, %lt3A_109 : vector<16xi1>
      %jit3A_111 = arith.constant 0 : i32
      %broadcast_in_dim3A_112 = vector.broadcast %jit3A_111 : i32 to vector<16xi32>
      %select_n3A_113 = arith.select %and3A_110, %sub3A_103, %broadcast_in_dim3A_112 : vector<16xi1>, vector<16xi32>
      %gather3A_114 = tpu.vector_load_idx %arg5[%select_n3A_113] masked %and3A_110 : memref<31264xi32, #tpu.memory_space<vmem>>[vector<16xi32>], vector<16xi32>, vector<16xi1>
      %lt3A_115 = arith.cmpi slt, %gather3A_114, %add3A_95 : vector<16xi32>
      %and3A_116 = arith.andi %and3A_110, %lt3A_115 : vector<16xi1>
      tpu.vector_store_idx %arg5[%select_n3A_113], %add3A_95 masked %and3A_116 : memref<31264xi32, #tpu.memory_space<vmem>>[vector<16xi32>], vector<16xi32>, vector<16xi1>
      %or3A_117 = arith.ori %or3A_92, %and3A_116 : vector<16xi1>
      %add3A_118 = arith.constant 16 : i32
      %add3A_119 = vector.broadcast %add3A_118 : i32 to vector<16xi32>
      %add3A_120 = arith.addi %add3A_95, %add3A_119 : vector<16xi32>
      %scan3A_121 = arith.constant 3 : i32
      %scan3A_122 = arith.addi %scan3A_53, %scan3A_121 : i32
      %mul3A_123 = arith.constant 16 : i32
      %mul3A_124 = arith.muli %scan3A_122, %mul3A_123 : i32
      %get3A_125 = arith.index_cast %mul3A_124 : i32 to index
      %get3A_126 = tpu.vector_load %arg4[%get3A_125] {strides = array<i32>} : memref<16384xi32, #tpu.memory_space<vmem>>, vector<16xi32>,
      %sub3A_127 = vector.broadcast %mul3A_2 : i32 to vector<16xi32>
      %sub3A_128 = arith.subi %get3A_126, %sub3A_127 : vector<16xi32>
      %ge3A_129 = arith.constant 0 : i32
      %ge3A_130 = vector.broadcast %ge3A_129 : i32 to vector<16xi32>
      %ge3A_131 = arith.cmpi sge, %sub3A_128, %ge3A_130 : vector<16xi32>
      %lt3A_132 = arith.constant 31264 : i32
      %lt3A_133 = vector.broadcast %lt3A_132 : i32 to vector<16xi32>
      %lt3A_134 = arith.cmpi slt, %sub3A_128, %lt3A_133 : vector<16xi32>
      %and3A_135 = arith.andi %ge3A_131, %lt3A_134 : vector<16xi1>
      %jit3A_136 = arith.constant 0 : i32
      %broadcast_in_dim3A_137 = vector.broadcast %jit3A_136 : i32 to vector<16xi32>
      %select_n3A_138 = arith.select %and3A_135, %sub3A_128, %broadcast_in_dim3A_137 : vector<16xi1>, vector<16xi32>
      %gather3A_139 = tpu.vector_load_idx %arg5[%select_n3A_138] masked %and3A_135 : memref<31264xi32, #tpu.memory_space<vmem>>[vector<16xi32>], vector<16xi32>, vector<16xi1>
      %lt3A_140 = arith.cmpi slt, %gather3A_139, %add3A_120 : vector<16xi32>
      %and3A_141 = arith.andi %and3A_135, %lt3A_140 : vector<16xi1>
      tpu.vector_store_idx %arg5[%select_n3A_138], %add3A_120 masked %and3A_141 : memref<31264xi32, #tpu.memory_space<vmem>>[vector<16xi32>], vector<16xi32>, vector<16xi1>
      %or3A_142 = arith.ori %or3A_117, %and3A_141 : vector<16xi1>
      %add3A_143 = arith.constant 16 : i32
      %add3A_144 = vector.broadcast %add3A_143 : i32 to vector<16xi32>
      %add3A_145 = arith.addi %add3A_120, %add3A_144 : vector<16xi32>
      scf.yield %or3A_142, %add3A_145 : vector<16xi1>, vector<16xi32>
    }
    %scan3A_36 = arith.constant 1024 : i32
    %reduce_or3A = arith.constant 1.000000e+00 : f32
    %reduce_or3A_37 = arith.constant 0.000000e+00 : f32
    %reduce_or3A_38 = vector.broadcast %reduce_or3A : f32 to vector<16xf32>
    %reduce_or3A_39 = vector.broadcast %reduce_or3A_37 : f32 to vector<16xf32>
    %reduce_or3A_40 = arith.select %scan3A_35#0, %reduce_or3A_38, %reduce_or3A_39 : vector<16xi1>, vector<16xf32>
    %reduce_or3A_41 = arith.constant true
    %reduce_or3A_42 = vector.broadcast %reduce_or3A_41 : i1 to vector<16xi1>
    %reduce_or3A_43 = tpu.scan <max>, %reduce_or3A_40 masked %reduce_or3A_42 : vector<16xf32>, vector<16xi1> -> vector<16xf32>
    %reduce_or3A_44 = vector.extract %reduce_or3A_43[15] : f32 from vector<16xf32>
    %reduce_or3A_45 = arith.constant 0.000000e+00 : f32
    %reduce_or3A_46 = arith.cmpf ogt, %reduce_or3A_44, %reduce_or3A_45 : f32
    %while3A = scf.while (%while3A_53 = %reduce_or3A_46) : (i1) -> i1 {
      scf.condition(%while3A_53) %while3A_53 : i1
    } do {
    ^bb0(%while3A_53: i1):
      %broadcast_in_dim3A_54 = arith.constant false
      %broadcast_in_dim3A_55 = vector.broadcast %broadcast_in_dim3A_54 : i1 to vector<16xi1>
      %scan3A_56 = arith.constant 0 : i32
      %scan3A_57 = arith.constant 1024 : i32
      %scan3A_58 = arith.addi %scan3A_56, %scan3A_57 : i32
      %scan3A_59 = arith.constant 4 : i32
      %scan3A_60:2 = scf.for %scan3A_73 = %scan3A_56 to %scan3A_58 step %scan3A_59 iter_args(%scan3A_74 = %broadcast_in_dim3A_55, %scan3A_75 = %iota3A) -> (vector<16xi1>, vector<16xi32>)  : i32 {
        %mul3A_76 = arith.constant 16 : i32
        %mul3A_77 = arith.muli %scan3A_73, %mul3A_76 : i32
        %get3A = arith.index_cast %mul3A_77 : i32 to index
        %get3A_78 = tpu.vector_load %arg4[%get3A] {strides = array<i32>} : memref<16384xi32, #tpu.memory_space<vmem>>, vector<16xi32>,
        %sub3A = vector.broadcast %mul3A_2 : i32 to vector<16xi32>
        %sub3A_79 = arith.subi %get3A_78, %sub3A : vector<16xi32>
        %ge3A = arith.constant 0 : i32
        %ge3A_80 = vector.broadcast %ge3A : i32 to vector<16xi32>
        %ge3A_81 = arith.cmpi sge, %sub3A_79, %ge3A_80 : vector<16xi32>
        %lt3A_82 = arith.constant 31264 : i32
        %lt3A_83 = vector.broadcast %lt3A_82 : i32 to vector<16xi32>
        %lt3A_84 = arith.cmpi slt, %sub3A_79, %lt3A_83 : vector<16xi32>
        %and3A = arith.andi %ge3A_81, %lt3A_84 : vector<16xi1>
        %jit3A = arith.constant 0 : i32
        %broadcast_in_dim3A_85 = vector.broadcast %jit3A : i32 to vector<16xi32>
        %select_n3A = arith.select %and3A, %sub3A_79, %broadcast_in_dim3A_85 : vector<16xi1>, vector<16xi32>
        %gather3A = tpu.vector_load_idx %arg5[%select_n3A] masked %and3A : memref<31264xi32, #tpu.memory_space<vmem>>[vector<16xi32>], vector<16xi32>, vector<16xi1>
        %lt3A_86 = arith.cmpi slt, %gather3A, %scan3A_75 : vector<16xi32>
        %and3A_87 = arith.andi %and3A, %lt3A_86 : vector<16xi1>
        tpu.vector_store_idx %arg5[%select_n3A], %scan3A_75 masked %and3A_87 : memref<31264xi32, #tpu.memory_space<vmem>>[vector<16xi32>], vector<16xi32>, vector<16xi1>
        %or3A = arith.ori %scan3A_74, %and3A_87 : vector<16xi1>
        %add3A_88 = arith.constant 16 : i32
        %add3A_89 = vector.broadcast %add3A_88 : i32 to vector<16xi32>
        %add3A_90 = arith.addi %scan3A_75, %add3A_89 : vector<16xi32>
        %scan3A_91 = arith.constant 1 : i32
        %scan3A_92 = arith.addi %scan3A_73, %scan3A_91 : i32
        %mul3A_93 = arith.constant 16 : i32
        %mul3A_94 = arith.muli %scan3A_92, %mul3A_93 : i32
        %get3A_95 = arith.index_cast %mul3A_94 : i32 to index
        %get3A_96 = tpu.vector_load %arg4[%get3A_95] {strides = array<i32>} : memref<16384xi32, #tpu.memory_space<vmem>>, vector<16xi32>,
        %sub3A_97 = vector.broadcast %mul3A_2 : i32 to vector<16xi32>
        %sub3A_98 = arith.subi %get3A_96, %sub3A_97 : vector<16xi32>
        %ge3A_99 = arith.constant 0 : i32
        %ge3A_100 = vector.broadcast %ge3A_99 : i32 to vector<16xi32>
        %ge3A_101 = arith.cmpi sge, %sub3A_98, %ge3A_100 : vector<16xi32>
        %lt3A_102 = arith.constant 31264 : i32
        %lt3A_103 = vector.broadcast %lt3A_102 : i32 to vector<16xi32>
        %lt3A_104 = arith.cmpi slt, %sub3A_98, %lt3A_103 : vector<16xi32>
        %and3A_105 = arith.andi %ge3A_101, %lt3A_104 : vector<16xi1>
        %jit3A_106 = arith.constant 0 : i32
        %broadcast_in_dim3A_107 = vector.broadcast %jit3A_106 : i32 to vector<16xi32>
        %select_n3A_108 = arith.select %and3A_105, %sub3A_98, %broadcast_in_dim3A_107 : vector<16xi1>, vector<16xi32>
        %gather3A_109 = tpu.vector_load_idx %arg5[%select_n3A_108] masked %and3A_105 : memref<31264xi32, #tpu.memory_space<vmem>>[vector<16xi32>], vector<16xi32>, vector<16xi1>
        %lt3A_110 = arith.cmpi slt, %gather3A_109, %add3A_90 : vector<16xi32>
        %and3A_111 = arith.andi %and3A_105, %lt3A_110 : vector<16xi1>
        tpu.vector_store_idx %arg5[%select_n3A_108], %add3A_90 masked %and3A_111 : memref<31264xi32, #tpu.memory_space<vmem>>[vector<16xi32>], vector<16xi32>, vector<16xi1>
        %or3A_112 = arith.ori %or3A, %and3A_111 : vector<16xi1>
        %add3A_113 = arith.constant 16 : i32
        %add3A_114 = vector.broadcast %add3A_113 : i32 to vector<16xi32>
        %add3A_115 = arith.addi %add3A_90, %add3A_114 : vector<16xi32>
        %scan3A_116 = arith.constant 2 : i32
        %scan3A_117 = arith.addi %scan3A_73, %scan3A_116 : i32
        %mul3A_118 = arith.constant 16 : i32
        %mul3A_119 = arith.muli %scan3A_117, %mul3A_118 : i32
        %get3A_120 = arith.index_cast %mul3A_119 : i32 to index
        %get3A_121 = tpu.vector_load %arg4[%get3A_120] {strides = array<i32>} : memref<16384xi32, #tpu.memory_space<vmem>>, vector<16xi32>,
        %sub3A_122 = vector.broadcast %mul3A_2 : i32 to vector<16xi32>
        %sub3A_123 = arith.subi %get3A_121, %sub3A_122 : vector<16xi32>
        %ge3A_124 = arith.constant 0 : i32
        %ge3A_125 = vector.broadcast %ge3A_124 : i32 to vector<16xi32>
        %ge3A_126 = arith.cmpi sge, %sub3A_123, %ge3A_125 : vector<16xi32>
        %lt3A_127 = arith.constant 31264 : i32
        %lt3A_128 = vector.broadcast %lt3A_127 : i32 to vector<16xi32>
        %lt3A_129 = arith.cmpi slt, %sub3A_123, %lt3A_128 : vector<16xi32>
        %and3A_130 = arith.andi %ge3A_126, %lt3A_129 : vector<16xi1>
        %jit3A_131 = arith.constant 0 : i32
        %broadcast_in_dim3A_132 = vector.broadcast %jit3A_131 : i32 to vector<16xi32>
        %select_n3A_133 = arith.select %and3A_130, %sub3A_123, %broadcast_in_dim3A_132 : vector<16xi1>, vector<16xi32>
        %gather3A_134 = tpu.vector_load_idx %arg5[%select_n3A_133] masked %and3A_130 : memref<31264xi32, #tpu.memory_space<vmem>>[vector<16xi32>], vector<16xi32>, vector<16xi1>
        %lt3A_135 = arith.cmpi slt, %gather3A_134, %add3A_115 : vector<16xi32>
        %and3A_136 = arith.andi %and3A_130, %lt3A_135 : vector<16xi1>
        tpu.vector_store_idx %arg5[%select_n3A_133], %add3A_115 masked %and3A_136 : memref<31264xi32, #tpu.memory_space<vmem>>[vector<16xi32>], vector<16xi32>, vector<16xi1>
        %or3A_137 = arith.ori %or3A_112, %and3A_136 : vector<16xi1>
        %add3A_138 = arith.constant 16 : i32
        %add3A_139 = vector.broadcast %add3A_138 : i32 to vector<16xi32>
        %add3A_140 = arith.addi %add3A_115, %add3A_139 : vector<16xi32>
        %scan3A_141 = arith.constant 3 : i32
        %scan3A_142 = arith.addi %scan3A_73, %scan3A_141 : i32
        %mul3A_143 = arith.constant 16 : i32
        %mul3A_144 = arith.muli %scan3A_142, %mul3A_143 : i32
        %get3A_145 = arith.index_cast %mul3A_144 : i32 to index
        %get3A_146 = tpu.vector_load %arg4[%get3A_145] {strides = array<i32>} : memref<16384xi32, #tpu.memory_space<vmem>>, vector<16xi32>,
        %sub3A_147 = vector.broadcast %mul3A_2 : i32 to vector<16xi32>
        %sub3A_148 = arith.subi %get3A_146, %sub3A_147 : vector<16xi32>
        %ge3A_149 = arith.constant 0 : i32
        %ge3A_150 = vector.broadcast %ge3A_149 : i32 to vector<16xi32>
        %ge3A_151 = arith.cmpi sge, %sub3A_148, %ge3A_150 : vector<16xi32>
        %lt3A_152 = arith.constant 31264 : i32
        %lt3A_153 = vector.broadcast %lt3A_152 : i32 to vector<16xi32>
        %lt3A_154 = arith.cmpi slt, %sub3A_148, %lt3A_153 : vector<16xi32>
        %and3A_155 = arith.andi %ge3A_151, %lt3A_154 : vector<16xi1>
        %jit3A_156 = arith.constant 0 : i32
        %broadcast_in_dim3A_157 = vector.broadcast %jit3A_156 : i32 to vector<16xi32>
        %select_n3A_158 = arith.select %and3A_155, %sub3A_148, %broadcast_in_dim3A_157 : vector<16xi1>, vector<16xi32>
        %gather3A_159 = tpu.vector_load_idx %arg5[%select_n3A_158] masked %and3A_155 : memref<31264xi32, #tpu.memory_space<vmem>>[vector<16xi32>], vector<16xi32>, vector<16xi1>
        %lt3A_160 = arith.cmpi slt, %gather3A_159, %add3A_140 : vector<16xi32>
        %and3A_161 = arith.andi %and3A_155, %lt3A_160 : vector<16xi1>
        tpu.vector_store_idx %arg5[%select_n3A_158], %add3A_140 masked %and3A_161 : memref<31264xi32, #tpu.memory_space<vmem>>[vector<16xi32>], vector<16xi32>, vector<16xi1>
        %or3A_162 = arith.ori %or3A_137, %and3A_161 : vector<16xi1>
        %add3A_163 = arith.constant 16 : i32
        %add3A_164 = vector.broadcast %add3A_163 : i32 to vector<16xi32>
        %add3A_165 = arith.addi %add3A_140, %add3A_164 : vector<16xi32>
        scf.yield %or3A_162, %add3A_165 : vector<16xi1>, vector<16xi32>
      }
      %scan3A_61 = arith.constant 1024 : i32
      %reduce_or3A_62 = arith.constant 1.000000e+00 : f32
      %reduce_or3A_63 = arith.constant 0.000000e+00 : f32
      %reduce_or3A_64 = vector.broadcast %reduce_or3A_62 : f32 to vector<16xf32>
      %reduce_or3A_65 = vector.broadcast %reduce_or3A_63 : f32 to vector<16xf32>
      %reduce_or3A_66 = arith.select %scan3A_60#0, %reduce_or3A_64, %reduce_or3A_65 : vector<16xi1>, vector<16xf32>
      %reduce_or3A_67 = arith.constant true
      %reduce_or3A_68 = vector.broadcast %reduce_or3A_67 : i1 to vector<16xi1>
      %reduce_or3A_69 = tpu.scan <max>, %reduce_or3A_66 masked %reduce_or3A_68 : vector<16xf32>, vector<16xi1> -> vector<16xf32>
      %reduce_or3A_70 = vector.extract %reduce_or3A_69[15] : f32 from vector<16xf32>
      %reduce_or3A_71 = arith.constant 0.000000e+00 : f32
      %reduce_or3A_72 = arith.cmpf ogt, %reduce_or3A_70, %reduce_or3A_71 : f32
      scf.yield %reduce_or3A_72 : i1
    }
    %lt3A = arith.constant 31 : i32
    %lt3A_47 = arith.cmpi slt, %add3A, %lt3A : i32
    %convert_element_type3A = arith.extui %lt3A_47 : i1 to i32
    %cond3A = arith.constant 0 : i32
    %cond3A_48 = arith.cmpi ne, %convert_element_type3A, %cond3A : i32
    scf.if %cond3A_48 {
      "tpu.region"() ({
        %run_scoped3A = tpu.sem_alloc : memref<!tpu.dma_semaphore, #tpu.memory_space<semaphore_mem>>
        %dma_start3A = tpu.memref_slice %arg3[%mul3A_2] : memref<1000000xi32, #tpu.memory_space<hbm>> -> memref<31264xi32, #tpu.memory_space<hbm>>
        %dma_start3A_53 = tpu.memref_slice %arg3[%mul3A_2] : memref<1000000xi32, #tpu.memory_space<hbm>> -> memref<31264xi32, #tpu.memory_space<hbm>>
        tpu.enqueue_dma source(%arg5 : memref<31264xi32, #tpu.memory_space<vmem>>) target(%dma_start3A_53 : memref<31264xi32, #tpu.memory_space<hbm>>) target_semaphore(%run_scoped3A : memref<!tpu.dma_semaphore, #tpu.memory_space<semaphore_mem>>)
        %dma_wait3A = tpu.memref_slice %arg3[%mul3A_2] : memref<1000000xi32, #tpu.memory_space<hbm>> -> memref<31264xi32, #tpu.memory_space<hbm>>
        %dma_wait3A_54 = tpu.memref_slice %arg3[%mul3A_2] : memref<1000000xi32, #tpu.memory_space<hbm>> -> memref<31264xi32, #tpu.memory_space<hbm>>
        tpu.wait_dma2 semaphore(%run_scoped3A : memref<!tpu.dma_semaphore, #tpu.memory_space<semaphore_mem>>) src(%arg5 : memref<31264xi32, #tpu.memory_space<vmem>>) dst(%dma_wait3A_54 : memref<31264xi32, #tpu.memory_space<hbm>>)
        tpu.yield
      }) : () -> ()
    } else {
    }
    %eq3A = arith.constant 31 : i32
    %eq3A_49 = arith.cmpi eq, %add3A, %eq3A : i32
    %convert_element_type3A_50 = arith.extui %eq3A_49 : i1 to i32
    %cond3A_51 = arith.constant 0 : i32
    %cond3A_52 = arith.cmpi ne, %convert_element_type3A_50, %cond3A_51 : i32
    scf.if %cond3A_52 {
      "tpu.region"() ({
        %run_scoped3A = tpu.sem_alloc : memref<!tpu.dma_semaphore, #tpu.memory_space<semaphore_mem>>
        %dma_start3A = arith.constant 0 : i32
        %dma_start3A_53 = tpu.memref_slice %arg5[%dma_start3A] : memref<31264xi32, #tpu.memory_space<vmem>> -> memref<30816xi32, #tpu.memory_space<vmem>>
        %dma_start3A_54 = tpu.memref_slice %arg3[%mul3A_2] : memref<1000000xi32, #tpu.memory_space<hbm>> -> memref<30816xi32, #tpu.memory_space<hbm>>
        %dma_start3A_55 = tpu.memref_slice %arg3[%mul3A_2] : memref<1000000xi32, #tpu.memory_space<hbm>> -> memref<30816xi32, #tpu.memory_space<hbm>>
        %dma_start3A_56 = arith.constant 0 : i32
        %dma_start3A_57 = tpu.memref_slice %arg5[%dma_start3A_56] : memref<31264xi32, #tpu.memory_space<vmem>> -> memref<30816xi32, #tpu.memory_space<vmem>>
        tpu.enqueue_dma source(%dma_start3A_57 : memref<30816xi32, #tpu.memory_space<vmem>>) target(%dma_start3A_55 : memref<30816xi32, #tpu.memory_space<hbm>>) target_semaphore(%run_scoped3A : memref<!tpu.dma_semaphore, #tpu.memory_space<semaphore_mem>>)
        %dma_wait3A = arith.constant 0 : i32
        %dma_wait3A_58 = tpu.memref_slice %arg5[%dma_wait3A] : memref<31264xi32, #tpu.memory_space<vmem>> -> memref<30816xi32, #tpu.memory_space<vmem>>
        %dma_wait3A_59 = tpu.memref_slice %arg3[%mul3A_2] : memref<1000000xi32, #tpu.memory_space<hbm>> -> memref<30816xi32, #tpu.memory_space<hbm>>
        %dma_wait3A_60 = tpu.memref_slice %arg3[%mul3A_2] : memref<1000000xi32, #tpu.memory_space<hbm>> -> memref<30816xi32, #tpu.memory_space<hbm>>
        %dma_wait3A_61 = arith.constant 0 : i32
        %dma_wait3A_62 = tpu.memref_slice %arg5[%dma_wait3A_61] : memref<31264xi32, #tpu.memory_space<vmem>> -> memref<30816xi32, #tpu.memory_space<vmem>>
        tpu.wait_dma2 semaphore(%run_scoped3A : memref<!tpu.dma_semaphore, #tpu.memory_space<semaphore_mem>>) src(%dma_wait3A_62 : memref<30816xi32, #tpu.memory_space<vmem>>) dst(%dma_wait3A_60 : memref<30816xi32, #tpu.memory_space<hbm>>)
        tpu.yield
      }) : () -> ()
    } else {
    }
    return
  }
}

</mosaic_0001>

<sc_bundles>
// kernel: kernel.3.cloned.1.call-start
scs
__scs_entry_jumppad:
0x0: {  	(pc) =	sbr.rel $0x88, $3  }
0x1: {  	(tag) =	ssettag $0x0;
	lr =	simm.s32 $0x1  }
0x2: {  	[smem:$0x3FA0] =	sst lr;
	_ =	strace $0xD0000000  }
0x3: {  	_ = 	snop  }
0x4: {  	_ = 	snop  }
0x5: {  	_ = 	snop  }
0x6: {  	_ = 	snop  }
0x7: {  	_ = 	snop  }
__scs_overlays_trampoline_lowered:
0x8: {  	[smem:$0x3FAF] =	sst s0  }
0x9: {  	[smem:$0x3FB0] =	sst s1  }
0xa: {  	[smem:$0x3FB1] =	sst s2  }
0xb: {  	[smem:$0x3FB2] =	sst s3  }
0xc: {  	[smem:$0x3FB3] =	sst s4  }
0xd: {  	[smem:$0x3FB4] =	sst s5  }
0xe: {  	[smem:$0x3FB5] =	sst s6  }
0xf: {  	[smem:$0x3FB6] =	sst s7  }
0x10: {  	[smem:$0x3FB7] =	sst s8  }
0x11: {  	[smem:$0x3FB8] =	sst s9;
	s0 =	simm.s32 @!p0 $0x0  }
0x12: {  	s1 =	sld [smem:$0x3F9E];
	s0 =	simm.s32 @p0 $0x1  }
0x13: {  	[smem:$0x3FB9] =	sst s0;
	s0 =	simm.s32 @!p1 $0x0  }
0x14: {  	s2 =	sld [smem:$0x3F9D];
	s0 =	simm.s32 @p1 $0x1  }
0x15: {  	[smem:$0x3FBA] =	sst s0;
	s0 =	simm.s32 @!p2 $0x0  }
0x16: {  	s3 =	sld [smem:$0x3FDB];
	s0 =	simm.s32 @p2 $0x1  }
0x17: {  	s4 =	simm.s32 $0x1BF5;
	[smem:$0x3FBC] =	sst s0  }
0x18: {  	s0 =	sld [smem:$0x3F9F];
	_ =	swait.ge [sflag:s4], $0x0  }
0x19: {  	s7 =	sld [smem:$0x3FA0]  }
0x1a: {  	s8 =	sadd.s32 $0xFFFFE003, lr  }
0x1b: {  	s9 =	sadd.s32 $0xFFFFFEF7, lr;
	s5 =	simm.s32 $0xFFFFFFFF;
	p2 =	slt.u32 s8, $0xFFFFF086  }
0x1c: {  	p1 =	slt.u32 s9, $0xF7A;
	s5 =	simm.s32 @!p2 $0x0  }
0x1d: {  	s5 =	simm.s32 @p1 $0x1;
	p0 =	seq.s32 s7, s2  }
0x1e: {  	s7 =	smul.u32 @!p0 $0xF7A, s2;
	p2 =	seq.s32 @!p0 s5, $0x0  }
0x1f: {  	s9 =	smul.u32 $0xF7A, s1;
	s8 =	simm.s32 @!p0 $0x1BF5;
	p2 =	por !p2, p0  }
0x20: {  	[sflag:s8] =	ssyncset.s32 @!p0 $0xFFFFF086;
	s6 =	sadd.s32 @!p0 s3, s7;
	s7 =	simm.s32 @!p0 $0x108  }
0x21: {  	s3 =	sadd.s32 s3, s9;
	s6 =	sadd.s32 @!p0 $0x88, s6;
	s7 =	simm.s32 @p2 $0x1082  }
0x22: {  	[simem:s7], [sflag:s8] =	dma.local @!p0 [hbm:s6], $0xF7A  }
0x23: {  	s9 =	sor.u32 $0xD0000000, s2;
	s6 =	simm.s32 $0x108;
	_ =	swait.ge @!p0 [sflag:s8], $0x0  }
0x24: {  	s3 =	sadd.s32 $0x88, s3;
	s6 =	simm.s32 @!p1 $0x1082;
	[sflag:s4] =	ssyncset.s32 $0xFFFFF086  }
0x25: {  	[simem:s6], [sflag:s4] =	dma.local [hbm:s3], $0xF7A  }
0x26: {  	[smem:$0x3FA0] =	sst s1;
	(tag) =	ssettag s2;
	_ =	strace s9  }
0x27: {  	s1 =	sld [smem:$0x3FB0]  }
0x28: {  	s2 =	sld [smem:$0x3FB1]  }
0x29: {  	s4 =	sld [smem:$0x3FB3]  }
0x2a: {  	p0 =	seq.s32 s5, $0x0;
	s5 =	sld [smem:$0x3FB4]  }
0x2b: {  	s6 =	sld [smem:$0x3FB5]  }
0x2c: {  	s7 =	sld [smem:$0x3FB6]  }
0x2d: {  	s3 =	simm.s32 $0x108;
	s8 =	sld [smem:$0x3FB7]  }
0x2e: {  	s3 =	simm.s32 @!p0 $0x1082;
	s9 =	sld [smem:$0x3FB8]  }
0x2f: {  	lr =	sadd.s32 s0, s3;
	s0 =	sld [smem:$0x3FAF]  }
0x30: {  	s3 =	sld [smem:$0x3FB2]  }
0x31: {  	[smem:$0x3FBB] =	sst s10  }
0x32: {  	s10 =	sld [smem:$0x3FB9];
	_ =	sdelay $0x3  }
0x33: {  	p0 =	seq.s32 s10, $0x1;
	s10 =	sld [smem:$0x3FBB];
	_ =	sdelay $0x3  }
0x34: {  	[smem:$0x3FBB] =	sst s10  }
0x35: {  	s10 =	sld [smem:$0x3FBA];
	_ =	sdelay $0x3  }
0x36: {  	p1 =	seq.s32 s10, $0x1;
	s10 =	sld [smem:$0x3FBB];
	_ =	sdelay $0x3  }
0x37: {  	[smem:$0x3FBB] =	sst s10  }
0x38: {  	s10 =	sld [smem:$0x3FBC]  }
0x39: {  	_ = 	snop;
	(pc) =	sbr.ind lr, $3  }
0x3a: {  	_ = 	snop  }
0x3b: {  	_ = 	snop  }
0x3c: {  	p2 =	seq.s32 s10, $0x1;
	s10 =	sld [smem:$0x3FBB]  }
0x3d: {  	_ =	shalt  }
0x3e: {  	_ =	shalt  }
0x3f: {  	_ =	shalt  }
0x40: {  	_ =	shalt  }
0x41: {  	_ =	shalt  }
0x42: {  	_ =	shalt  }
0x43: {  	_ =	shalt  }
0x44: {  	_ =	shalt  }
0x45: {  	_ =	shalt  }
0x46: {  	_ =	shalt  }
0x47: {  	_ =	shalt  }
0x48: {  	_ =	shalt  }
0x49: {  	_ =	shalt  }
0x4a: {  	_ =	shalt  }
0x4b: {  	_ =	shalt  }
0x4c: {  	_ =	shalt  }
0x4d: {  	_ =	shalt  }
0x4e: {  	_ =	shalt  }
0x4f: {  	_ =	shalt  }
0x50: {  	_ =	shalt  }
0x51: {  	_ =	shalt  }
0x52: {  	_ =	shalt  }
0x53: {  	_ =	shalt  }
0x54: {  	_ =	shalt  }
0x55: {  	_ =	shalt  }
0x56: {  	_ =	shalt  }
0x57: {  	_ =	shalt  }
0x58: {  	_ =	shalt  }
0x59: {  	_ =	shalt  }
0x5a: {  	_ =	shalt  }
0x5b: {  	_ =	shalt  }
0x5c: {  	_ =	shalt  }
0x5d: {  	_ =	shalt  }
0x5e: {  	_ =	shalt  }
0x5f: {  	_ =	shalt  }
0x60: {  	_ =	shalt  }
0x61: {  	_ =	shalt  }
0x62: {  	_ =	shalt  }
0x63: {  	_ =	shalt  }
0x64: {  	_ =	shalt  }
0x65: {  	_ =	shalt  }
0x66: {  	_ =	shalt  }
0x67: {  	_ =	shalt  }
0x68: {  	_ =	shalt  }
0x69: {  	_ =	shalt  }
0x6a: {  	_ =	shalt  }
0x6b: {  	_ =	shalt  }
0x6c: {  	_ =	shalt  }
0x6d: {  	_ =	shalt  }
0x6e: {  	_ =	shalt  }
0x6f: {  	_ =	shalt  }
0x70: {  	_ =	shalt  }
0x71: {  	_ =	shalt  }
0x72: {  	_ =	shalt  }
0x73: {  	_ =	shalt  }
0x74: {  	_ =	shalt  }
0x75: {  	_ =	shalt  }
0x76: {  	_ =	shalt  }
0x77: {  	_ =	shalt  }
0x78: {  	_ =	shalt  }
0x79: {  	_ =	shalt  }
0x7a: {  	_ =	shalt  }
0x7b: {  	_ =	shalt  }
0x7c: {  	_ =	shalt  }
0x7d: {  	_ =	shalt  }
0x7e: {  	_ =	shalt  }
0x7f: {  	_ =	shalt  }
0x80: {  	_ =	shalt  }
0x81: {  	_ =	shalt  }
0x82: {  	_ =	shalt  }
0x83: {  	_ =	shalt  }
0x84: {  	_ =	shalt  }
0x85: {  	_ =	shalt  }
0x86: {  	_ =	shalt  }
0x87: {  	_ =	shalt  }
.Lfunc_end0:
.L_simem_size_0:
called_computation_lowered:
.L_overlay_start_0:
0x88: {  	s2 =	sld [smem:$0x3FD9]  }
0x89: {  	s3 =	sld [smem:$0x3FFE];
	_ =	sdelay $0x1  }
0x8a: {  	s1 =	srdreg.scid  }
0x8b: {  	s0 =	sand.u32 $0x1, s1  }
0x8c: {  	s18 =	sshll.u32 s0, $0xA;
	s2 =	sadd.s32 s3, s2  }
0x8d: {  	s2 =	sadd.s32 s2, s18  }
0x8e: {  	[smem:$0x3FC7] =	sst s2  }
0x8f: {  	_ = 	snop  }
0x90: {  	s2 =	sld [smem:$0x3FC9]  }
0x91: {  	s19 =	sld [smem:$0x3FD0];
	(tm) =	ssettm $0x1  }
0x92: {  	s4 =	sld [smem:$0x3FFB];
	_ =	sdelay $0x3  }
0x93: {  	_ =	strace s4  }
0x94: {  	s4 =	sld [smem:$0x3FFC];
	_ =	sdelay $0x3  }
0x95: {  	_ =	strace s4  }
0x96: {  	s4 =	sld [smem:$0x3FFD];
	_ =	sdelay $0x3  }
0x97: {  	_ =	strace s4  }
0x98: {  	_ =	strace $0x8FFFFFFF  }
0x99: {  	s20 =	sld [smem:$0x3FDB];
	_ =	sdelay $0x1  }
0x9a: {  	s5 =	simm.s32 $_scs_section_size  }
0x9b: {  	s6 =	simm.s32 $_size__tile_overlayer_lowered;
	s7 =	simm.s32 $_tile_overlayer_lowered  }
0x9c: {  	s23 =	simm.s32 $0x1BFF;
	s22 =	sshll.u32 s7, $0x1;
	s4 =	sadd.s32 s5, s20  }
0x9d: {  	s8 =	simm.s32 $0x0;
	s21 =	sshll.u32 s6, $0x1;
	s6 =	sadd.s32 s22, s4  }
0x9e: {  	[timem:s8], [sflag:s23] =	dma.local [hbm:s6], s21  }
0x9f: {  	_ =	swait.ge [sflag:s23], s21  }
0xa0: {  	s5 =	ssub.s32 $0x0, s21;
	[sflag:s23] =	ssyncset.done $0x0  }
0xa1: {  	[sflag:s23] =	ssyncadd.s32 s5;
	_ =	sdelay $0x1  }
0xa2: {  	s24 =	simm.s32 $0x1B8B  }
0xa3: {  	_ =	swait.ge [sflag:s24], $0x1  }
0xa4: {  	[sflag:s24] =	ssyncset.done $0x0  }
0xa5: {  	s25 =	simm.s32 $0x1B8E;
	[sflag:s24] =	ssyncadd.s32 $0xFFFFFFFF  }
0xa6: {  	s26 =	simm.s32 $execute0_lowered;
	[smem:$0x3FD2] =	sst s25  }
0xa7: {  	s5 =	sshll.u32 s26, $0x1;
	_ =	strace $0x80000046;
	[dreg:$0x1] =	wrdreg $0xFFFFFFFF  }
0xa8: {  	s28 =	simm.s32 $_size_execute0_lowered;
	s4 =	sadd.s32 s4, s5;
	[dreg:$0x0] =	wrdreg $0x0  }
0xa9: {  	s5 =	sshll.u32 s28, $0x1;
	[dreg:$0x2] =	wrdreg s4  }
0xaa: {  	[dreg:$0x3] =	wrdreg s5  }
0xab: {  	[dreg:$0x4] =	wrdreg $0xC0  }
0xac: {  	_ =	task [dreg:s8], $0x5FFFF  }
0xad: {  	[dreg:$0x1] =	wrdreg $0xFFFFFFFF  }
0xae: {  	[dreg:$0x0] =	wrdreg $0x60  }
0xaf: {  	[dreg:$0x2] =	wrdreg s2  }
0xb0: {  	[dreg:$0x3] =	wrdreg s19  }
0xb1: {  	[dreg:$0x4] =	wrdreg $0x9  }
0xb2: {  	_ =	task.clear_ibuf [dreg:s8], $0x5FFFF;
	_ =	strace $0x90000046  }
0xb3: {  	s29 =	simm.s32 $0x9;
	_ =	strace $0x80000048  }
0xb4: {  	_ =	swait.ge [sflag:s29], $0x1  }
0xb5: {  	[sflag:s29] =	ssyncadd.s32 $0xFFFFFFFF  }
0xb6: {  	_ =	strace $0x90000048  }
0xb7: {  	_ =	sfence  }
0xb8: {  	s30 =	sld [smem:$0x0];
	_ =	sdelay $0x2  }
0xb9: {  	s31 =	sshll.u32 s1, $0xD;
	s1 =	sshrl.u32 s1, $0x2  }
0xba: {  	s3 =	sand.u32 $0x4000, s31;
	s1 =	sadd.s32 s1, s30  }
0xbb: {  	s0 =	sor.u32 s3, s0;
	s1 =	sshll.u32 s1, $0x11  }
0xbc: {  	s0 =	sor.u32 s1, s0  }
0xbd: {  	s0 =	sadd.s32 $0x8F2B, s0  }
0xbe: {  	[sflag:s0] =	ssyncadd.remote.s32 $0x1  }
0xbf: {  	_ =	sfence.sel $0xFFFF  }
0xc0: {  	[dreg:$0x0] =	wrdreg $0xFFFFFFFF;
	(pc) =	sbr.abs _section_cstart, $3  }
0xc1: {  	[dreg:$0x1] =	wrdreg $0xFFFFFFFF  }
0xc2: {  	_ =	task.clear_ibuf [dreg:s8], $0x2FFFF;
	_ =	strace $0x9FFFFFFF  }
0xc3: {  	(tm) =	ssettm $0x7FFFFFFF  }
tec
execute0_lowered:
.L_overlay_start_1:
0x0: {  	(tag) =	ssettag $0x1  }
0x1: {  	s1 =	srdreg.scid;
	s2 =	rddreg [dreg:$0x0]  }
0x2: {  	s0 =	stileid.u32;
	s5 =	rddreg [dreg:$0x1]  }
0x3: {  	s3 =	simm.s32 $0x0;
	s4 =	sand.u32 $0x1, s1;
	s1 =	rddreg [dreg:$0x2]  }
0x4: {  	s31 =	sshll.u32 s0, $0x1;
	[smem:$0x7FF] =	sst s3  }
.Ltmp0:
0x5: {  	s9 =	sor.u32 s4, s31;
	s4 =	ssub.s32 $0x2, s4;
	(pc) =	sbr.rel .LBB2_1-.Ltmp0, $4  }
0x6: {  	_ =	strace $0x80000047;
	s6 =	smul.u32 $0x7A20, s9;
	s7 =	sshrl.u32 s4, $0x1  }
0x7: {  	p0 =	seq.s32 s9, $0x1F;
	s9 =	simm.s32 $0x0;
	s7 =	ssub.s32 s4, s7  }
0x8: {  	s8 =	sshrl.u32 s6, $0x3;
	v0 =	vmov s6;
	s6 =	smax.u32 s7, $0x1;
	s7 =	simm.s32 $0x1  }
0x9: {  	v1 =	vimm.s32 $0x0;
	vm0 =	vmxor vm0, vm0;
	v2 =	vimm.f32 $0.0e+00;
	s4 =	sadd.s32 s5, s8;
	s5 =	sadd.s32 $0x1D93C, s5;
	s8 =	simm.s32 $0x4000  }
.LBB2_10:
0xa: {  	s10 =	simm.s32 @p0 $0x0;
	s11 =	simm.s32 @p0 $0x4000  }
0xb: {  	[hbm4b:s5+s10] =	stream.linear.scatter @p0 [tilespmem:s11], [sflag:$0x2], $0x7860, $0x38;
	[tilespmem:$0xBA80] =	vst v63  }
0xc: {  	s10 =	simm.s32 @p0 $0x2  }
0xd: {  	_ =	swait.ge @p0 [sflag:s10], $0x7860  }
0xe: {  	s9 =	sadd.s32 $0x1, s9;
	s11 =	simm.s32 @!p0 $0x4000;
	[sflag:s10] =	ssyncset.done @p0 $0x0  }
0xf: {  	p1 =	sne.s32 s9, s6;
	[sflag:s10] =	ssyncadd.s32 @p0 $0xFFFF87A0;
	s10 =	simm.s32 @!p0 $0x0  }
0x10: {  	[hbm4b:s4+s10] =	stream.linear.scatter @!p0 [tilespmem:s11], [sflag:$0x2], $0x7A20, $0x38;
	[tilespmem:$0xBA80] =	vst v63  }
.Ltmp1:
0x11: {  	_ = 	snop;
	(pc) =	sbr.rel @!p1 .LBB2_11-.Ltmp1, $4  }
0x12: {  	s10 =	simm.s32 @!p0 $0x2  }
0x13: {  	_ =	swait.ge @!p0 [sflag:s10], $0x7A20  }
0x14: {  	[sflag:s10] =	ssyncset.done @!p0 $0x0  }
0x15: {  	[sflag:s10] =	ssyncadd.s32 @!p0 $0xFFFF85E0  }
.LBB2_1:
0x16: {  	[tilespmem:s3], [sflag:$0x1] =	stream.linear.gather [hbm4b:s2+s3], $0x4000, $0x38;
	[tilespmem:$0xBA80] =	vst v63  }
0x17: {  	s10 =	simm.s32 $0x4040  }
0x18: {  	[tilespmem:s10+$0xFFFFFFC0] =	vst v1  }
0x19: {  	[tilespmem:s10+$0x30] =	vst v1  }
0x1a: {  	[tilespmem:s10+$0x20] =	vst v1  }
0x1b: {  	[tilespmem:s10+$0x10] =	vst v1  }
0x1c: {  	[tilespmem:s10+$0x0] =	vst v1  }
0x1d: {  	[tilespmem:s10+$0xFFFFFFF0] =	vst v1  }
0x1e: {  	s11 =	simm.s32 $0x0;
	[tilespmem:s10+$0xFFFFFFE0] =	vst v1  }
.LBB2_2:
0x1f: {  	s11 =	sadd.s32 $0x8, s11;
	[tilespmem:s10+$0xFFFFFFD0] =	vst v1;
	s10 =	sadd.s32 $0x80, s10  }
0x20: {  	[tilespmem:s10+$0xFFFFFFC0] =	vst v1;
	p1 =	slt.u32 s11, $0x798  }
0x21: {  	[tilespmem:s10+$0x30] =	vst v1  }
.Ltmp2:
0x22: {  	[tilespmem:s10+$0x20] =	vst v1;
	(pc) =	sbr.rel @p1 .LBB2_2-.Ltmp2, $4  }
0x23: {  	[tilespmem:s10+$0x10] =	vst v1  }
0x24: {  	[tilespmem:s10+$0x0] =	vst v1  }
0x25: {  	[tilespmem:s10+$0xFFFFFFF0] =	vst v1  }
0x26: {  	[tilespmem:s10+$0xFFFFFFE0] =	vst v1  }
0x27: {  	[tilespmem:s10+$0xFFFFFFD0] =	vst v1  }
0x28: {  	[tilespmem:$0xBA00] =	vst v1  }
0x29: {  	[tilespmem:$0xBA10] =	vst v1  }
0x2a: {  	_ =	swait.ge [sflag:s7], $0x4000  }
0x2b: {  	s10 =	simm.s32 $0xFFFFFFFC;
	s11 =	simm.s32 $0x20;
	[sflag:s7] =	ssyncset.done $0x0  }
0x2c: {  	v3 =	vlaneseq.u32;
	s12 =	simm.s32 $0x20;
	s13 =	simm.s32 $0xFFFFFFFC;
	v4 =	vlaneseq.u32;
	[sflag:s7] =	ssyncadd.s32 $0xFFFFC000  }
.LBB2_4:
0x2d: {  	v5 =	vld [tilespmem:s12+$0xFFFFFFE0];
	_ =	sdelay $0x4  }
0x2e: {  	v5 =	vsub.s32 v5, v0  }
0x2f: {  	vm1 =	vlt.u32 v5, $0x7A20  }
0x30: {  	v5 =	vnsel vm1, $0x0, v5;
	_ =	sdelay $0x4  }
0x31: {  	[tilespmem:v5+s8+$0x0] =	vst.idx.msk vm1, v4  }
0x32: {  	v5 =	vld [tilespmem:s12+$0xFFFFFFF0];
	_ =	sdelay $0x4  }
0x33: {  	v5 =	vsub.s32 v5, v0  }
0x34: {  	vm1 =	vlt.u32 v5, $0x7A20  }
0x35: {  	v5 =	vnsel vm1, $0x0, v5;
	_ =	sdelay $0x3  }
0x36: {  	v6 =	vadd.s32 $0x10, v4  }
0x37: {  	[tilespmem:v5+s8+$0x0] =	vst.idx.msk vm1, v6  }
0x38: {  	v5 =	vld [tilespmem:s12+$0x0];
	_ =	sdelay $0x4  }
0x39: {  	v5 =	vsub.s32 v5, v0  }
0x3a: {  	vm1 =	vlt.u32 v5, $0x7A20  }
0x3b: {  	v5 =	vnsel vm1, $0x0, v5;
	_ =	sdelay $0x3  }
0x3c: {  	v6 =	vadd.s32 $0x20, v4  }
0x3d: {  	[tilespmem:v5+s8+$0x0] =	vst.idx.msk vm1, v6  }
0x3e: {  	v5 =	vld [tilespmem:s12+$0x10];
	_ =	sdelay $0x4  }
0x3f: {  	v5 =	vsub.s32 v5, v0  }
0x40: {  	s13 =	sadd.s32 $0x4, s13;
	vm1 =	vlt.u32 v5, $0x7A20  }
0x41: {  	p1 =	slt.u32 s13, $0x3FC;
	v5 =	vnsel vm1, $0x0, v5  }
.Ltmp3:
0x42: {  	_ = 	snop;
	(pc) =	sbr.rel @p1 .LBB2_4-.Ltmp3, $3  }
0x43: {  	_ =	sdelay $0x1  }
0x44: {  	v6 =	vadd.s32 $0x30, v4  }
0x45: {  	v4 =	vadd.s32 $0x40, v4;
	s12 =	sadd.s32 $0x40, s12;
	[tilespmem:v5+s8+$0x0] =	vst.idx.msk vm1, v6  }
0x46: {  	vm1 =	vmmov vm0  }
.LBB2_6:
0x47: {  	v4 =	vld [tilespmem:s11+$0xFFFFFFE0];
	_ =	sdelay $0x4  }
0x48: {  	v4 =	vsub.s32 v4, v0  }
0x49: {  	vm2 =	vlt.u32 v4, $0x7A20  }
0x4a: {  	v4 =	vnsel vm2, $0x0, v4;
	_ =	sdelay $0x4  }
0x4b: {  	v5 =	vld.idx.msk [tilespmem:v4+s8+$0x0], vm2;
	_ =	sdelay $0x4  }
0x4c: {  	vm3 =	vlt.s32 v5, v3  }
0x4d: {  	vm2 =	vmand vm2, vm3;
	_ =	sdelay $0x5  }
0x4e: {  	[tilespmem:v4+s8+$0x0] =	vst.idx.msk vm2, v3  }
0x4f: {  	v4 =	vld [tilespmem:s11+$0xFFFFFFF0];
	_ =	sdelay $0x4  }
0x50: {  	v4 =	vsub.s32 v4, v0  }
0x51: {  	vm3 =	vlt.u32 v4, $0x7A20  }
0x52: {  	v4 =	vnsel vm3, $0x0, v4;
	_ =	sdelay $0x4  }
0x53: {  	v5 =	vld.idx.msk [tilespmem:v4+s8+$0x0], vm3;
	_ =	sdelay $0x3  }
0x54: {  	v6 =	vadd.s32 $0x10, v3  }
0x55: {  	vm4 =	vlt.s32 v5, v6  }
0x56: {  	vm3 =	vmand vm3, vm4;
	_ =	sdelay $0x5  }
0x57: {  	[tilespmem:v4+s8+$0x0] =	vst.idx.msk vm3, v6  }
0x58: {  	v4 =	vld [tilespmem:s11+$0x0];
	_ =	sdelay $0x4  }
0x59: {  	v4 =	vsub.s32 v4, v0  }
0x5a: {  	vm14 =	vlt.u32 v4, $0x7A20  }
0x5b: {  	v4 =	vnsel vm14, $0x0, v4;
	_ =	sdelay $0x4  }
0x5c: {  	v5 =	vld.idx.msk [tilespmem:v4+s8+$0x0], vm14;
	_ =	sdelay $0x3  }
0x5d: {  	v62 =	vadd.s32 $0x20, v3  }
0x5e: {  	vm5 =	vlt.s32 v5, v62  }
0x5f: {  	vm4 =	vmand vm14, vm5;
	_ =	sdelay $0x5  }
0x60: {  	[tilespmem:v4+s8+$0x0] =	vst.idx.msk vm4, v62  }
0x61: {  	v4 =	vld [tilespmem:s11+$0x10];
	_ =	sdelay $0x4  }
0x62: {  	v4 =	vsub.s32 v4, v0  }
0x63: {  	vm15 =	vlt.u32 v4, $0x7A20  }
0x64: {  	v4 =	vnsel vm15, $0x0, v4;
	_ =	sdelay $0x4  }
0x65: {  	v5 =	vld.idx.msk [tilespmem:v4+s8+$0x0], vm15;
	_ =	sdelay $0x3  }
0x66: {  	v63 =	vadd.s32 $0x30, v3  }
0x67: {  	vm6 =	vlt.s32 v5, v63  }
0x68: {  	s10 =	sadd.s32 $0x4, s10;
	vm5 =	vmand vm15, vm6  }
0x69: {  	p1 =	slt.u32 s10, $0x3FC  }
.Ltmp4:
0x6a: {  	_ = 	snop;
	(pc) =	sbr.rel @p1 .LBB2_6-.Ltmp4, $4  }
0x6b: {  	vm1 =	vmor vm1, vm2  }
0x6c: {  	vm1 =	vmor vm1, vm3  }
0x6d: {  	vm1 =	vmor vm1, vm4  }
0x6e: {  	v3 =	vadd.s32 $0x40, v3;
	s11 =	sadd.s32 $0x40, s11;
	vm1 =	vmor vm1, vm5;
	[tilespmem:v4+s8+$0x0] =	vst.idx.msk vm5, v63  }
0x6f: {  	v3 =	vsel vm1, $0x3F800000, v2  }
0x70: {  	(xrf0) =	vmax.scan.msk.f32 $0xffff, v3;
	_ =	sdelay $0x5  }
0x71: {  	v3, _, _ =	vpop (xrf0)  }
0x72: {  	(v2sf) =	vpush v3, $0xF;
	_ =	sdelay $0xe  }
0x73: {  	s10 =	spop (v2sf)  }
0x74: {  	p1 =	sgt.f32 s10, $0.0e+00  }
.Ltmp5:
0x75: {  	_ = 	snop;
	(pc) =	sbr.rel @!p1 .LBB2_10-.Ltmp5, $1  }
0x76: {  	_ =	sdelay $0x3  }
0x77: {  	s10 =	simm.s32 $0x0;
	v3 =	vlaneseq.u32;
	vm1 =	vmmov vm0  }
.LBB2_9:
0x78: {  	s11 =	sshll.u32 s10, $0x4  }
0x79: {  	s11 =	sand.u32 $0x3FFFFFF0, s11  }
0x7a: {  	v4 =	vld [tilespmem:s11+$0x0];
	_ =	sdelay $0x4  }
0x7b: {  	v4 =	vsub.s32 v4, v0  }
0x7c: {  	vm2 =	vlt.u32 v4, $0x7A20  }
0x7d: {  	v4 =	vnsel vm2, $0x0, v4;
	_ =	sdelay $0x4  }
0x7e: {  	v5 =	vld.idx.msk [tilespmem:v4+s8+$0x0], vm2;
	_ =	sdelay $0x4  }
0x7f: {  	vm3 =	vlt.s32 v5, v3  }
0x80: {  	vm2 =	vmand vm2, vm3;
	_ =	sdelay $0x5  }
0x81: {  	[tilespmem:v4+s8+$0x0] =	vst.idx.msk vm2, v3  }
0x82: {  	v4 =	vld [tilespmem:s11+$0x10];
	_ =	sdelay $0x4  }
0x83: {  	v4 =	vsub.s32 v4, v0  }
0x84: {  	vm3 =	vlt.u32 v4, $0x7A20  }
0x85: {  	v4 =	vnsel vm3, $0x0, v4;
	_ =	sdelay $0x4  }
0x86: {  	v5 =	vld.idx.msk [tilespmem:v4+s8+$0x0], vm3;
	_ =	sdelay $0x3  }
0x87: {  	v6 =	vadd.s32 $0x10, v3  }
0x88: {  	vm4 =	vlt.s32 v5, v6  }
0x89: {  	vm3 =	vmand vm3, vm4;
	_ =	sdelay $0x5  }
0x8a: {  	[tilespmem:v4+s8+$0x0] =	vst.idx.msk vm3, v6  }
0x8b: {  	v4 =	vld [tilespmem:s11+$0x20];
	_ =	sdelay $0x4  }
0x8c: {  	v4 =	vsub.s32 v4, v0  }
0x8d: {  	vm14 =	vlt.u32 v4, $0x7A20  }
0x8e: {  	v4 =	vnsel vm14, $0x0, v4;
	_ =	sdelay $0x4  }
0x8f: {  	v5 =	vld.idx.msk [tilespmem:v4+s8+$0x0], vm14;
	_ =	sdelay $0x3  }
0x90: {  	v62 =	vadd.s32 $0x20, v3  }
0x91: {  	vm5 =	vlt.s32 v5, v62  }
0x92: {  	vm4 =	vmand vm14, vm5;
	_ =	sdelay $0x5  }
0x93: {  	[tilespmem:v4+s8+$0x0] =	vst.idx.msk vm4, v62  }
0x94: {  	v4 =	vld [tilespmem:s11+$0x30];
	_ =	sdelay $0x4  }
0x95: {  	v4 =	vsub.s32 v4, v0  }
0x96: {  	vm15 =	vlt.u32 v4, $0x7A20  }
0x97: {  	v4 =	vnsel vm15, $0x0, v4;
	_ =	sdelay $0x4  }
0x98: {  	v5 =	vld.idx.msk [tilespmem:v4+s8+$0x0], vm15;
	_ =	sdelay $0x3  }
0x99: {  	v63 =	vadd.s32 $0x30, v3;
	vm1 =	vmor vm1, vm2  }
0x9a: {  	vm1 =	vmor vm1, vm3;
	vm2 =	vlt.s32 v5, v63  }
0x9b: {  	p1 =	slt.u32 s10, $0x3FC;
	vm1 =	vmor vm1, vm4;
	vm2 =	vmand vm15, vm2  }
0x9c: {  	v5 =	vimm.f32 @!p1 $0.0e+00;
	vm3 =	vmor vm1, vm2  }
0x9d: {  	v5 =	vsel @!p1 vm3, $0x3F800000, v5  }
0x9e: {  	(xrf0) =	vmax.scan.msk.f32 @!p1 $0xffff, v5;
	_ =	sdelay $0x5  }
0x9f: {  	v5, _, _ =	vpop @!p1 (xrf0)  }
0xa0: {  	(v2sf) =	vpush @!p1 v5, $0xF;
	_ =	sdelay $0xe  }
0xa1: {  	s11 =	spop @!p1 (v2sf)  }
0xa2: {  	p2 =	sgt.f32 @!p1 s11, $0.0e+00;
	_ =	sdelay $0x1  }
0xa3: {  	p2 =	por p1, p2  }
.Ltmp6:
0xa4: {  	_ = 	snop;
	(pc) =	sbr.rel @p2 .LBB2_9-.Ltmp6, $3  }
0xa5: {  	_ =	sdelay $0x1  }
0xa6: {  	s10 =	sadd.s32 $0x4, s10;
	v3 =	vadd.s32 $0x40, v3;
	vm1 =	vmxor @!p1 vm1, vm1;
	v5 =	vlaneseq.u32 @!p1  }
0xa7: {  	s10 =	simm.s32 @!p1 $0x0;
	vm1 =	vmmov @p1 vm3;
	[tilespmem:v4+s8+$0x0] =	vst.idx.msk vm2, v63;
	v3 =	vpsel p1, v3, v5  }
.Ltmp7:
0xa8: {  	_ = 	snop;
	(pc) =	sbr.rel .LBB2_10-.Ltmp7, $1  }
0xa9: {  	_ =	sdelay $0x3  }
.LBB2_11:
0xaa: {  	_ =	sfence.sel $0x180000  }
0xab: {  	[bflag:$0x0] =	sbarrier.arrive $0xFFFF  }
0xac: {  	p0 =	sne.s32 s0, $0x0;
	_ =	strace $0x90000047  }
0xad: {  	s0 =	sadd.s32 @!p0 $0x100000, s1;
	[bflag:$0x2] =	sbarrier.arrive $0xFFFF  }
0xae: {  	[sflag:s0] =	ssyncadd.tile.s32 @!p0 $0x1;
	_ =	shalt  }
.Lfunc_end2:
_tile_overlayer_lowered:
.L_overlay_start_2:
0xaf: {  	(tag) =	ssettag $0x2  }
0xb0: {  	s0 =	rddreg [dreg:$0x0];
	s2 =	stileid.u32  }
0xb1: {  	s1 =	rddreg [dreg:$0x1];
	p0 =	sne.s32 s2, $0x0  }
0xb2: {  	s3 =	rddreg [dreg:$0x2];
	[bflag:$0x3] =	sbarrier.arrive $0xFFFF;
	s2 =	simm.s32 @!p0 $0x1C02  }
0xb3: {  	[timem:s3], [sflag:s2] =	dma.local @!p0 [hbm:s0], s1  }
0xb4: {  	s0 =	simm.s32 @!p0 $0x2  }
0xb5: {  	_ =	swait.ge @!p0 [sflag:s0], s1  }
0xb6: {  	s1 =	ssub.s32 @!p0 $0x0, s1;
	[sflag:s0] =	ssyncset.done @!p0 $0x0  }
0xb7: {  	[sflag:s0] =	ssyncadd.s32 @!p0 s1  }
0xb8: {  	[bflag:$0x3] =	sbarrier.arrive $0xFFFF  }
0xb9: {  	_ =	shalt  }

</sc_bundles>
